<compile_context>
chip_gen: v7x
topology: tpu7x:2x2x1
jax: 0.10.2.dev20260603
libtpu: 0.0.44.dev20260713+nightly
codegen_flags: <defaults>
</compile_context>

<pallas_src>
import functools

import jax
import jax.numpy as jnp
from jax import lax
from jax.experimental import pallas as pl
from jax.experimental.pallas import tpu as pltpu
from jax.experimental.pallas import tpu_sc as plsc

_NW = 32
_CHUNK = 49152
_ITERS = 15
_PER_W = _CHUNK * _ITERS
_S = _NW * _PER_W
_TC_ROWS = 175104
_TC_BLOCK = 1024


def _gather(x_hbm, buf, sem, src, i):
    return pltpu.make_async_copy(x_hbm.at[pl.ds(src + i * _CHUNK, _CHUNK)], buf, sem)


def _scatter(o_hbm, buf, sem, dst, i):
    return pltpu.make_async_copy(buf, o_hbm.at[pl.ds(dst + i * _CHUNK, _CHUNK)], sem)


def _sc_copy(x_hbm, o_hbm, buf0, buf1, semg0, semg1, sems0, sems1):
    c = lax.axis_index("c")
    s = lax.axis_index("s")
    wid = s * 2 + c
    n = x_hbm.shape[0]
    src = n - _S + wid * _PER_W
    dst = wid * _PER_W
    bufs = (buf0, buf1)
    semg = (semg0, semg1)
    sems = (sems0, sems1)

    _gather(x_hbm, buf0, semg0, src, 0).start()

    def body(i, _):
        for p in range(2):

            @pl.when(lax.rem(i, 2) == p)
            def _():
                q = 1 - p
                _gather(x_hbm, bufs[p], semg[p], src, i).wait()
                _scatter(o_hbm, bufs[p], sems[p], dst, i).start()

                @pl.when(i + 1 < _ITERS)
                def _():
                    @pl.when(i >= 1)
                    def _():
                        _scatter(o_hbm, bufs[q], sems[q], dst, i - 1).wait()

                    _gather(x_hbm, bufs[q], semg[q], src, i + 1).start()

        return 0

    lax.fori_loop(0, _ITERS, body, 0)
    last_p = (_ITERS - 1) % 2
    _scatter(o_hbm, bufs[last_p], sems[last_p], dst, _ITERS - 1).wait()
    _scatter(o_hbm, bufs[1 - last_p], sems[1 - last_p], dst, _ITERS - 2).wait()


def _tc_body(x_ref, o_ref):
    o_ref[...] = x_ref[...]


def kernel(x, mask):
    xf = x.reshape(-1)
    mesh = plsc.VectorSubcoreMesh(core_axis_name="c", subcore_axis_name="s")
    sc = pl.kernel(
        _sc_copy,
        out_type=jax.ShapeDtypeStruct((_S,), jnp.float32),
        mesh=mesh,
        scratch_types=[
            pltpu.VMEM((_CHUNK,), jnp.float32),
            pltpu.VMEM((_CHUNK,), jnp.float32),
            pltpu.SemaphoreType.DMA,
            pltpu.SemaphoreType.DMA,
            pltpu.SemaphoreType.DMA,
            pltpu.SemaphoreType.DMA,
        ],
    )
    sc_out = sc(xf)

    nrows = xf.shape[0] // 512
    x2d = xf.reshape(nrows, 512)
    tc_out = pl.pallas_call(
        _tc_body,
        grid=(_TC_ROWS // _TC_BLOCK,),
        in_specs=[pl.BlockSpec((_TC_BLOCK, 512), lambda i: (i, 0))],
        out_specs=pl.BlockSpec((_TC_BLOCK, 512), lambda i: (i, 0)),
        out_shape=jax.ShapeDtypeStruct((nrows, 512), jnp.float32),
        compiler_params=pltpu.CompilerParams(dimension_semantics=("parallel",)),
    )(x2d)
    return tc_out, sc_out

# --- scband reference (transcript-rebuilt; emitter-appended) ---
"""Pipeline reference for scband-trainable-re-lupixel-wise-52536039965318 (READ-ONLY COPY).

The authoritative reference and input builder live on the scoring server;
editing this copy changes nothing except your own understanding.
"""

import jax, jax.numpy as jnp
import numpy as np

THRESHOLD = 0.5


def setup_inputs(seed: int = 0) -> dict:
    key = jax.random.key(seed)
    k1, k2 = jax.random.split(key)
    x = jax.random.normal(k1, (8, 96, 384, 384), dtype=jnp.float32)
    # torch init: (-1 - 1) * rand + 1  ->  uniform in [-1, 1]
    mask = jax.random.uniform(k2, (96, 384, 384), dtype=jnp.float32, minval=-1.0, maxval=1.0)
    return {"x": x, "mask": mask}


def reference(x, mask):
    # mask = sigmoid(mask_param); relu_idx = mask >= threshold
    m = jax.nn.sigmoid(mask)
    relu_idx = m >= THRESHOLD
    # x[:, relu_idx] = relu(x[:, relu_idx])  ==  where(relu_idx broadcast over batch, relu(x), x)
    out = jnp.where(relu_idx[None, ...], jax.nn.relu(x), x)
    return out

if __name__ == "__main__":
    import jax
    _d = setup_inputs()
    print(jax.jit(kernel)(*tuple(_d.values())))

</pallas_src>

<mosaic_0001>
#map = affine_map<(d0, d1) -> (0)>
module attributes {stable_mosaic.version = 14 : i64} {
  func.func @_sc_copy(%arg0: i32, %arg1: i32, %arg2: memref<113246208xf32, #tpu.memory_space<hbm>>, %arg3: memref<23592960xf32, #tpu.memory_space<hbm>>, %arg4: memref<49152xf32, #tpu.memory_space<vmem>>, %arg5: memref<49152xf32, #tpu.memory_space<vmem>>, %arg6: memref<!tpu.dma_semaphore, #tpu.memory_space<semaphore_mem>>, %arg7: memref<!tpu.dma_semaphore, #tpu.memory_space<semaphore_mem>>, %arg8: memref<!tpu.dma_semaphore, #tpu.memory_space<semaphore_mem>>, %arg9: memref<!tpu.dma_semaphore, #tpu.memory_space<semaphore_mem>>) attributes {dimension_semantics = [#tpu.dimension_semantics<core_parallel>, #tpu.dimension_semantics<subcore_parallel>], iteration_bounds = array<i64: 2, 16>, scalar_prefetch = 0 : i64, scratch_operands = 6 : i64, tpu.core_type = #tpu.core_type<sc_vector_subcore>, window_params = [{transform_indices = #map}, {transform_indices = #map}]} {
    %mul3A = arith.constant 2 : i32
    %mul3A_0 = arith.muli %arg1, %mul3A : i32
    %add3A = arith.addi %mul3A_0, %arg0 : i32
    %mul3A_1 = arith.constant 737280 : i32
    %mul3A_2 = arith.muli %add3A, %mul3A_1 : i32
    %add3A_3 = arith.constant 89653248 : i32
    %add3A_4 = arith.addi %add3A_3, %mul3A_2 : i32
    %mul3A_5 = arith.constant 737280 : i32
    %mul3A_6 = arith.muli %add3A, %mul3A_5 : i32
    %add3A_7 = arith.constant 0 : i32
    %add3A_8 = arith.addi %add3A_4, %add3A_7 : i32
    %dma_start3A = tpu.memref_slice %arg2[%add3A_8] : memref<113246208xf32, #tpu.memory_space<hbm>> -> memref<49152xf32, #tpu.memory_space<hbm>>
    %dma_start3A_9 = tpu.memref_slice %arg2[%add3A_8] : memref<113246208xf32, #tpu.memory_space<hbm>> -> memref<49152xf32, #tpu.memory_space<hbm>>
    tpu.enqueue_dma source(%dma_start3A_9 : memref<49152xf32, #tpu.memory_space<hbm>>) target(%arg4 : memref<49152xf32, #tpu.memory_space<vmem>>) target_semaphore(%arg6 : memref<!tpu.dma_semaphore, #tpu.memory_space<semaphore_mem>>)
    %scan3A = arith.constant 0 : i32
    %scan3A_10 = arith.constant 0 : i32
    %scan3A_11 = arith.constant 15 : i32
    %scan3A_12 = arith.addi %scan3A_10, %scan3A_11 : i32
    %scan3A_13 = arith.constant 1 : i32
    %scan3A_14 = scf.for %scan3A_23 = %scan3A_10 to %scan3A_12 step %scan3A_13 iter_args(%scan3A_24 = %scan3A) -> (i32)  : i32 {
      %rem3A = arith.constant 2 : i32
      %rem3A_25 = arith.remsi %scan3A_23, %rem3A : i32
      %eq3A = arith.constant 0 : i32
      %eq3A_26 = arith.cmpi eq, %rem3A_25, %eq3A : i32
      %convert_element_type3A = arith.extui %eq3A_26 : i1 to i32
      %cond3A = arith.constant 0 : i32
      %cond3A_27 = arith.cmpi ne, %convert_element_type3A, %cond3A : i32
      scf.if %cond3A_27 {
        %mul3A_36 = arith.constant 49152 : i32
        %mul3A_37 = arith.muli %scan3A_23, %mul3A_36 : i32
        %add3A_38 = arith.addi %add3A_4, %mul3A_37 : i32
        %dma_wait3A_39 = tpu.memref_slice %arg2[%add3A_38] : memref<113246208xf32, #tpu.memory_space<hbm>> -> memref<49152xf32, #tpu.memory_space<hbm>>
        %dma_wait3A_40 = tpu.memref_slice %arg2[%add3A_38] : memref<113246208xf32, #tpu.memory_space<hbm>> -> memref<49152xf32, #tpu.memory_space<hbm>>
        tpu.wait_dma2 semaphore(%arg6 : memref<!tpu.dma_semaphore, #tpu.memory_space<semaphore_mem>>) src(%dma_wait3A_40 : memref<49152xf32, #tpu.memory_space<hbm>>) dst(%arg4 : memref<49152xf32, #tpu.memory_space<vmem>>)
        %mul3A_41 = arith.constant 49152 : i32
        %mul3A_42 = arith.muli %scan3A_23, %mul3A_41 : i32
        %add3A_43 = arith.addi %mul3A_6, %mul3A_42 : i32
        %dma_start3A_44 = tpu.memref_slice %arg3[%add3A_43] : memref<23592960xf32, #tpu.memory_space<hbm>> -> memref<49152xf32, #tpu.memory_space<hbm>>
        %dma_start3A_45 = tpu.memref_slice %arg3[%add3A_43] : memref<23592960xf32, #tpu.memory_space<hbm>> -> memref<49152xf32, #tpu.memory_space<hbm>>
        tpu.enqueue_dma source(%arg4 : memref<49152xf32, #tpu.memory_space<vmem>>) target(%dma_start3A_45 : memref<49152xf32, #tpu.memory_space<hbm>>) target_semaphore(%arg8 : memref<!tpu.dma_semaphore, #tpu.memory_space<semaphore_mem>>)
        %add3A_46 = arith.constant 1 : i32
        %add3A_47 = arith.addi %scan3A_23, %add3A_46 : i32
        %lt3A = arith.constant 15 : i32
        %lt3A_48 = arith.cmpi slt, %add3A_47, %lt3A : i32
        %convert_element_type3A_49 = arith.extui %lt3A_48 : i1 to i32
        %cond3A_50 = arith.constant 0 : i32
        %cond3A_51 = arith.cmpi ne, %convert_element_type3A_49, %cond3A_50 : i32
        scf.if %cond3A_51 {
          %ge3A = arith.constant 1 : i32
          %ge3A_52 = arith.cmpi sge, %scan3A_23, %ge3A : i32
          %convert_element_type3A_53 = arith.extui %ge3A_52 : i1 to i32
          %cond3A_54 = arith.constant 0 : i32
          %cond3A_55 = arith.cmpi ne, %convert_element_type3A_53, %cond3A_54 : i32
          scf.if %cond3A_55 {
            %sub3A = arith.constant 1 : i32
            %sub3A_63 = arith.subi %scan3A_23, %sub3A : i32
            %mul3A_64 = arith.constant 49152 : i32
            %mul3A_65 = arith.muli %sub3A_63, %mul3A_64 : i32
            %add3A_66 = arith.addi %mul3A_6, %mul3A_65 : i32
            %dma_wait3A_67 = tpu.memref_slice %arg3[%add3A_66] : memref<23592960xf32, #tpu.memory_space<hbm>> -> memref<49152xf32, #tpu.memory_space<hbm>>
            %dma_wait3A_68 = tpu.memref_slice %arg3[%add3A_66] : memref<23592960xf32, #tpu.memory_space<hbm>> -> memref<49152xf32, #tpu.memory_space<hbm>>
            tpu.wait_dma2 semaphore(%arg9 : memref<!tpu.dma_semaphore, #tpu.memory_space<semaphore_mem>>) src(%arg5 : memref<49152xf32, #tpu.memory_space<vmem>>) dst(%dma_wait3A_68 : memref<49152xf32, #tpu.memory_space<hbm>>)
          } else {
          }
          %add3A_56 = arith.constant 1 : i32
          %add3A_57 = arith.addi %scan3A_23, %add3A_56 : i32
          %mul3A_58 = arith.constant 49152 : i32
          %mul3A_59 = arith.muli %add3A_57, %mul3A_58 : i32
          %add3A_60 = arith.addi %add3A_4, %mul3A_59 : i32
          %dma_start3A_61 = tpu.memref_slice %arg2[%add3A_60] : memref<113246208xf32, #tpu.memory_space<hbm>> -> memref<49152xf32, #tpu.memory_space<hbm>>
          %dma_start3A_62 = tpu.memref_slice %arg2[%add3A_60] : memref<113246208xf32, #tpu.memory_space<hbm>> -> memref<49152xf32, #tpu.memory_space<hbm>>
          tpu.enqueue_dma source(%dma_start3A_62 : memref<49152xf32, #tpu.memory_space<hbm>>) target(%arg5 : memref<49152xf32, #tpu.memory_space<vmem>>) target_semaphore(%arg7 : memref<!tpu.dma_semaphore, #tpu.memory_space<semaphore_mem>>)
        } else {
        }
      } else {
      }
      %rem3A_28 = arith.constant 2 : i32
      %rem3A_29 = arith.remsi %scan3A_23, %rem3A_28 : i32
      %eq3A_30 = arith.constant 1 : i32
      %eq3A_31 = arith.cmpi eq, %rem3A_29, %eq3A_30 : i32
      %convert_element_type3A_32 = arith.extui %eq3A_31 : i1 to i32
      %cond3A_33 = arith.constant 0 : i32
      %cond3A_34 = arith.cmpi ne, %convert_element_type3A_32, %cond3A_33 : i32
      scf.if %cond3A_34 {
        %mul3A_36 = arith.constant 49152 : i32
        %mul3A_37 = arith.muli %scan3A_23, %mul3A_36 : i32
        %add3A_38 = arith.addi %add3A_4, %mul3A_37 : i32
        %dma_wait3A_39 = tpu.memref_slice %arg2[%add3A_38] : memref<113246208xf32, #tpu.memory_space<hbm>> -> memref<49152xf32, #tpu.memory_space<hbm>>
        %dma_wait3A_40 = tpu.memref_slice %arg2[%add3A_38] : memref<113246208xf32, #tpu.memory_space<hbm>> -> memref<49152xf32, #tpu.memory_space<hbm>>
        tpu.wait_dma2 semaphore(%arg7 : memref<!tpu.dma_semaphore, #tpu.memory_space<semaphore_mem>>) src(%dma_wait3A_40 : memref<49152xf32, #tpu.memory_space<hbm>>) dst(%arg5 : memref<49152xf32, #tpu.memory_space<vmem>>)
        %mul3A_41 = arith.constant 49152 : i32
        %mul3A_42 = arith.muli %scan3A_23, %mul3A_41 : i32
        %add3A_43 = arith.addi %mul3A_6, %mul3A_42 : i32
        %dma_start3A_44 = tpu.memref_slice %arg3[%add3A_43] : memref<23592960xf32, #tpu.memory_space<hbm>> -> memref<49152xf32, #tpu.memory_space<hbm>>
        %dma_start3A_45 = tpu.memref_slice %arg3[%add3A_43] : memref<23592960xf32, #tpu.memory_space<hbm>> -> memref<49152xf32, #tpu.memory_space<hbm>>
        tpu.enqueue_dma source(%arg5 : memref<49152xf32, #tpu.memory_space<vmem>>) target(%dma_start3A_45 : memref<49152xf32, #tpu.memory_space<hbm>>) target_semaphore(%arg9 : memref<!tpu.dma_semaphore, #tpu.memory_space<semaphore_mem>>)
        %add3A_46 = arith.constant 1 : i32
        %add3A_47 = arith.addi %scan3A_23, %add3A_46 : i32
        %lt3A = arith.constant 15 : i32
        %lt3A_48 = arith.cmpi slt, %add3A_47, %lt3A : i32
        %convert_element_type3A_49 = arith.extui %lt3A_48 : i1 to i32
        %cond3A_50 = arith.constant 0 : i32
        %cond3A_51 = arith.cmpi ne, %convert_element_type3A_49, %cond3A_50 : i32
        scf.if %cond3A_51 {
          %ge3A = arith.constant 1 : i32
          %ge3A_52 = arith.cmpi sge, %scan3A_23, %ge3A : i32
          %convert_element_type3A_53 = arith.extui %ge3A_52 : i1 to i32
          %cond3A_54 = arith.constant 0 : i32
          %cond3A_55 = arith.cmpi ne, %convert_element_type3A_53, %cond3A_54 : i32
          scf.if %cond3A_55 {
            %sub3A = arith.constant 1 : i32
            %sub3A_63 = arith.subi %scan3A_23, %sub3A : i32
            %mul3A_64 = arith.constant 49152 : i32
            %mul3A_65 = arith.muli %sub3A_63, %mul3A_64 : i32
            %add3A_66 = arith.addi %mul3A_6, %mul3A_65 : i32
            %dma_wait3A_67 = tpu.memref_slice %arg3[%add3A_66] : memref<23592960xf32, #tpu.memory_space<hbm>> -> memref<49152xf32, #tpu.memory_space<hbm>>
            %dma_wait3A_68 = tpu.memref_slice %arg3[%add3A_66] : memref<23592960xf32, #tpu.memory_space<hbm>> -> memref<49152xf32, #tpu.memory_space<hbm>>
            tpu.wait_dma2 semaphore(%arg8 : memref<!tpu.dma_semaphore, #tpu.memory_space<semaphore_mem>>) src(%arg4 : memref<49152xf32, #tpu.memory_space<vmem>>) dst(%dma_wait3A_68 : memref<49152xf32, #tpu.memory_space<hbm>>)
          } else {
          }
          %add3A_56 = arith.constant 1 : i32
          %add3A_57 = arith.addi %scan3A_23, %add3A_56 : i32
          %mul3A_58 = arith.constant 49152 : i32
          %mul3A_59 = arith.muli %add3A_57, %mul3A_58 : i32
          %add3A_60 = arith.addi %add3A_4, %mul3A_59 : i32
          %dma_start3A_61 = tpu.memref_slice %arg2[%add3A_60] : memref<113246208xf32, #tpu.memory_space<hbm>> -> memref<49152xf32, #tpu.memory_space<hbm>>
          %dma_start3A_62 = tpu.memref_slice %arg2[%add3A_60] : memref<113246208xf32, #tpu.memory_space<hbm>> -> memref<49152xf32, #tpu.memory_space<hbm>>
          tpu.enqueue_dma source(%dma_start3A_62 : memref<49152xf32, #tpu.memory_space<hbm>>) target(%arg4 : memref<49152xf32, #tpu.memory_space<vmem>>) target_semaphore(%arg6 : memref<!tpu.dma_semaphore, #tpu.memory_space<semaphore_mem>>)
        } else {
        }
      } else {
      }
      %scan3A_35 = arith.constant 0 : i32
      scf.yield %scan3A_35 : i32
    }
    %scan3A_15 = arith.constant 15 : i32
    %add3A_16 = arith.constant 688128 : i32
    %add3A_17 = arith.addi %mul3A_6, %add3A_16 : i32
    %dma_wait3A = tpu.memref_slice %arg3[%add3A_17] : memref<23592960xf32, #tpu.memory_space<hbm>> -> memref<49152xf32, #tpu.memory_space<hbm>>
    %dma_wait3A_18 = tpu.memref_slice %arg3[%add3A_17] : memref<23592960xf32, #tpu.memory_space<hbm>> -> memref<49152xf32, #tpu.memory_space<hbm>>
    tpu.wait_dma2 semaphore(%arg8 : memref<!tpu.dma_semaphore, #tpu.memory_space<semaphore_mem>>) src(%arg4 : memref<49152xf32, #tpu.memory_space<vmem>>) dst(%dma_wait3A_18 : memref<49152xf32, #tpu.memory_space<hbm>>)
    %add3A_19 = arith.constant 638976 : i32
    %add3A_20 = arith.addi %mul3A_6, %add3A_19 : i32
    %dma_wait3A_21 = tpu.memref_slice %arg3[%add3A_20] : memref<23592960xf32, #tpu.memory_space<hbm>> -> memref<49152xf32, #tpu.memory_space<hbm>>
    %dma_wait3A_22 = tpu.memref_slice %arg3[%add3A_20] : memref<23592960xf32, #tpu.memory_space<hbm>> -> memref<49152xf32, #tpu.memory_space<hbm>>
    tpu.wait_dma2 semaphore(%arg9 : memref<!tpu.dma_semaphore, #tpu.memory_space<semaphore_mem>>) src(%arg5 : memref<49152xf32, #tpu.memory_space<vmem>>) dst(%dma_wait3A_22 : memref<49152xf32, #tpu.memory_space<hbm>>)
    return
  }
}

module attributes {stable_mosaic.version = 14 : i64} {
  func.func @_tc_body(%arg0: i32, %arg1: memref<1024x512xf32, #tpu.memory_space<vmem>>, %arg2: memref<1024x512xf32, #tpu.memory_space<vmem>>) attributes {dimension_semantics = [#tpu.dimension_semantics<parallel>], iteration_bounds = array<i64: 171>, scalar_prefetch = 0 : i64, scratch_operands = 0 : i64, tpu.core_type = #tpu.core_type<tc>, window_params = [{transform_indices = @transform_0, window_bounds = array<i64: 1024, 512>}, {transform_indices = @transform_1, window_bounds = array<i64: 1024, 512>}]} {
    %get3A = arith.constant 0 : index
    %get3A_0 = arith.constant 0 : index
    %get3A_1 = vector.load %arg1[%get3A, %get3A_0] : memref<1024x512xf32, #tpu.memory_space<vmem>>, vector<1024x512xf32>
    %swap3A = arith.constant 0 : index
    %swap3A_2 = arith.constant 0 : index
    %swap3A_3 = vector.load %arg2[%swap3A, %swap3A_2] : memref<1024x512xf32, #tpu.memory_space<vmem>>, vector<1024x512xf32>
    tpu.vector_store %arg2[%swap3A, %swap3A_2], %get3A_1 {strides = array<i32>} : memref<1024x512xf32, #tpu.memory_space<vmem>>, vector<1024x512xf32>,
    return
  }
  func.func @transform_0(%arg0: i32) -> (i32, i32) {
    %c0_i32 = arith.constant 0 : i32
    %c0_i32_0 = arith.constant 0 : i32
    return %arg0, %c0_i32 : i32, i32
  }
  func.func @transform_1(%arg0: i32) -> (i32, i32) {
    %c0_i32 = arith.constant 0 : i32
    %c0_i32_0 = arith.constant 0 : i32
    return %arg0, %c0_i32 : i32, i32
  }
}

</mosaic_0001>

<sc_bundles>
// kernel: kernel.4.cloned.1.call-start
scs
__scs_entry_jumppad:
0x0: {  	(pc) =	sbr.rel $0x88, $3  }
0x1: {  	(tag) =	ssettag $0x0;
	lr =	simm.s32 $0x1  }
0x2: {  	[smem:$0x3FA0] =	sst lr;
	_ =	strace $0xD0000000  }
0x3: {  	_ = 	snop  }
0x4: {  	_ = 	snop  }
0x5: {  	_ = 	snop  }
0x6: {  	_ = 	snop  }
0x7: {  	_ = 	snop  }
__scs_overlays_trampoline_lowered:
0x8: {  	[smem:$0x3FAF] =	sst s0  }
0x9: {  	[smem:$0x3FB0] =	sst s1  }
0xa: {  	[smem:$0x3FB1] =	sst s2  }
0xb: {  	[smem:$0x3FB2] =	sst s3  }
0xc: {  	[smem:$0x3FB3] =	sst s4  }
0xd: {  	[smem:$0x3FB4] =	sst s5  }
0xe: {  	[smem:$0x3FB5] =	sst s6  }
0xf: {  	[smem:$0x3FB6] =	sst s7  }
0x10: {  	[smem:$0x3FB7] =	sst s8  }
0x11: {  	[smem:$0x3FB8] =	sst s9;
	s0 =	simm.s32 @!p0 $0x0  }
0x12: {  	s1 =	sld [smem:$0x3F9E];
	s0 =	simm.s32 @p0 $0x1  }
0x13: {  	[smem:$0x3FB9] =	sst s0;
	s0 =	simm.s32 @!p1 $0x0  }
0x14: {  	s2 =	sld [smem:$0x3F9D];
	s0 =	simm.s32 @p1 $0x1  }
0x15: {  	[smem:$0x3FBA] =	sst s0;
	s0 =	simm.s32 @!p2 $0x0  }
0x16: {  	s3 =	sld [smem:$0x3FDB];
	s0 =	simm.s32 @p2 $0x1  }
0x17: {  	s4 =	simm.s32 $0x1BF5;
	[smem:$0x3FBC] =	sst s0  }
0x18: {  	s0 =	sld [smem:$0x3F9F];
	_ =	swait.ge [sflag:s4], $0x0  }
0x19: {  	s7 =	sld [smem:$0x3FA0]  }
0x1a: {  	s8 =	sadd.s32 $0xFFFFE003, lr  }
0x1b: {  	s9 =	sadd.s32 $0xFFFFFEF7, lr;
	s5 =	simm.s32 $0xFFFFFFFF;
	p2 =	slt.u32 s8, $0xFFFFF086  }
0x1c: {  	p1 =	slt.u32 s9, $0xF7A;
	s5 =	simm.s32 @!p2 $0x0  }
0x1d: {  	s5 =	simm.s32 @p1 $0x1;
	p0 =	seq.s32 s7, s2  }
0x1e: {  	s7 =	smul.u32 @!p0 $0xF7A, s2;
	p2 =	seq.s32 @!p0 s5, $0x0  }
0x1f: {  	s9 =	smul.u32 $0xF7A, s1;
	s8 =	simm.s32 @!p0 $0x1BF5;
	p2 =	por !p2, p0  }
0x20: {  	[sflag:s8] =	ssyncset.s32 @!p0 $0xFFFFF086;
	s6 =	sadd.s32 @!p0 s3, s7;
	s7 =	simm.s32 @!p0 $0x108  }
0x21: {  	s3 =	sadd.s32 s3, s9;
	s6 =	sadd.s32 @!p0 $0x88, s6;
	s7 =	simm.s32 @p2 $0x1082  }
0x22: {  	[simem:s7], [sflag:s8] =	dma.local @!p0 [hbm:s6], $0xF7A  }
0x23: {  	s9 =	sor.u32 $0xD0000000, s2;
	s6 =	simm.s32 $0x108;
	_ =	swait.ge @!p0 [sflag:s8], $0x0  }
0x24: {  	s3 =	sadd.s32 $0x88, s3;
	s6 =	simm.s32 @!p1 $0x1082;
	[sflag:s4] =	ssyncset.s32 $0xFFFFF086  }
0x25: {  	[simem:s6], [sflag:s4] =	dma.local [hbm:s3], $0xF7A  }
0x26: {  	[smem:$0x3FA0] =	sst s1;
	(tag) =	ssettag s2;
	_ =	strace s9  }
0x27: {  	s1 =	sld [smem:$0x3FB0]  }
0x28: {  	s2 =	sld [smem:$0x3FB1]  }
0x29: {  	s4 =	sld [smem:$0x3FB3]  }
0x2a: {  	p0 =	seq.s32 s5, $0x0;
	s5 =	sld [smem:$0x3FB4]  }
0x2b: {  	s6 =	sld [smem:$0x3FB5]  }
0x2c: {  	s7 =	sld [smem:$0x3FB6]  }
0x2d: {  	s3 =	simm.s32 $0x108;
	s8 =	sld [smem:$0x3FB7]  }
0x2e: {  	s3 =	simm.s32 @!p0 $0x1082;
	s9 =	sld [smem:$0x3FB8]  }
0x2f: {  	lr =	sadd.s32 s0, s3;
	s0 =	sld [smem:$0x3FAF]  }
0x30: {  	s3 =	sld [smem:$0x3FB2]  }
0x31: {  	[smem:$0x3FBB] =	sst s10  }
0x32: {  	s10 =	sld [smem:$0x3FB9];
	_ =	sdelay $0x3  }
0x33: {  	p0 =	seq.s32 s10, $0x1;
	s10 =	sld [smem:$0x3FBB];
	_ =	sdelay $0x3  }
0x34: {  	[smem:$0x3FBB] =	sst s10  }
0x35: {  	s10 =	sld [smem:$0x3FBA];
	_ =	sdelay $0x3  }
0x36: {  	p1 =	seq.s32 s10, $0x1;
	s10 =	sld [smem:$0x3FBB];
	_ =	sdelay $0x3  }
0x37: {  	[smem:$0x3FBB] =	sst s10  }
0x38: {  	s10 =	sld [smem:$0x3FBC]  }
0x39: {  	_ = 	snop;
	(pc) =	sbr.ind lr, $3  }
0x3a: {  	_ = 	snop  }
0x3b: {  	_ = 	snop  }
0x3c: {  	p2 =	seq.s32 s10, $0x1;
	s10 =	sld [smem:$0x3FBB]  }
0x3d: {  	_ =	shalt  }
0x3e: {  	_ =	shalt  }
0x3f: {  	_ =	shalt  }
0x40: {  	_ =	shalt  }
0x41: {  	_ =	shalt  }
0x42: {  	_ =	shalt  }
0x43: {  	_ =	shalt  }
0x44: {  	_ =	shalt  }
0x45: {  	_ =	shalt  }
0x46: {  	_ =	shalt  }
0x47: {  	_ =	shalt  }
0x48: {  	_ =	shalt  }
0x49: {  	_ =	shalt  }
0x4a: {  	_ =	shalt  }
0x4b: {  	_ =	shalt  }
0x4c: {  	_ =	shalt  }
0x4d: {  	_ =	shalt  }
0x4e: {  	_ =	shalt  }
0x4f: {  	_ =	shalt  }
0x50: {  	_ =	shalt  }
0x51: {  	_ =	shalt  }
0x52: {  	_ =	shalt  }
0x53: {  	_ =	shalt  }
0x54: {  	_ =	shalt  }
0x55: {  	_ =	shalt  }
0x56: {  	_ =	shalt  }
0x57: {  	_ =	shalt  }
0x58: {  	_ =	shalt  }
0x59: {  	_ =	shalt  }
0x5a: {  	_ =	shalt  }
0x5b: {  	_ =	shalt  }
0x5c: {  	_ =	shalt  }
0x5d: {  	_ =	shalt  }
0x5e: {  	_ =	shalt  }
0x5f: {  	_ =	shalt  }
0x60: {  	_ =	shalt  }
0x61: {  	_ =	shalt  }
0x62: {  	_ =	shalt  }
0x63: {  	_ =	shalt  }
0x64: {  	_ =	shalt  }
0x65: {  	_ =	shalt  }
0x66: {  	_ =	shalt  }
0x67: {  	_ =	shalt  }
0x68: {  	_ =	shalt  }
0x69: {  	_ =	shalt  }
0x6a: {  	_ =	shalt  }
0x6b: {  	_ =	shalt  }
0x6c: {  	_ =	shalt  }
0x6d: {  	_ =	shalt  }
0x6e: {  	_ =	shalt  }
0x6f: {  	_ =	shalt  }
0x70: {  	_ =	shalt  }
0x71: {  	_ =	shalt  }
0x72: {  	_ =	shalt  }
0x73: {  	_ =	shalt  }
0x74: {  	_ =	shalt  }
0x75: {  	_ =	shalt  }
0x76: {  	_ =	shalt  }
0x77: {  	_ =	shalt  }
0x78: {  	_ =	shalt  }
0x79: {  	_ =	shalt  }
0x7a: {  	_ =	shalt  }
0x7b: {  	_ =	shalt  }
0x7c: {  	_ =	shalt  }
0x7d: {  	_ =	shalt  }
0x7e: {  	_ =	shalt  }
0x7f: {  	_ =	shalt  }
0x80: {  	_ =	shalt  }
0x81: {  	_ =	shalt  }
0x82: {  	_ =	shalt  }
0x83: {  	_ =	shalt  }
0x84: {  	_ =	shalt  }
0x85: {  	_ =	shalt  }
0x86: {  	_ =	shalt  }
0x87: {  	_ =	shalt  }
.Lfunc_end0:
.L_simem_size_0:
called_computation_lowered:
.L_overlay_start_0:
0x88: {  	s2 =	sld [smem:$0x3FD9]  }
0x89: {  	s3 =	sld [smem:$0x3FFE];
	_ =	sdelay $0x1  }
0x8a: {  	s1 =	srdreg.scid  }
0x8b: {  	s0 =	sand.u32 $0x1, s1  }
0x8c: {  	s14 =	sshll.u32 s0, $0xA;
	s2 =	sadd.s32 s3, s2  }
0x8d: {  	s2 =	sadd.s32 s2, s14  }
0x8e: {  	[smem:$0x3FC7] =	sst s2  }
0x8f: {  	_ = 	snop  }
0x90: {  	s2 =	sld [smem:$0x3FD0];
	_ =	sdelay $0x2  }
0x91: {  	s15 =	simm.s32 $0xA;
	s4 =	simm.s32 $0x10  }
0x92: {  	[smem:s4], [sflag:s15] =	dma.local [hbm:s2], $0x1  }
0x93: {  	_ =	swait.eq [sflag:s15], $0x1  }
0x94: {  	[sflag:s15] =	ssyncset.done $0x0  }
0x95: {  	[sflag:s15] =	ssyncadd.s32 $0xFFFFFFFF  }
0x96: {  	s16 =	sld [smem:$0x11];
	(tm) =	ssettm $0x1  }
0x97: {  	s17 =	sld [smem:$0x3FFB];
	_ =	sdelay $0x3  }
0x98: {  	_ =	strace s17  }
0x99: {  	s3 =	sld [smem:$0x3FFC];
	_ =	sdelay $0x3  }
0x9a: {  	_ =	strace s3  }
0x9b: {  	s3 =	sld [smem:$0x3FFD];
	_ =	sdelay $0x3  }
0x9c: {  	_ =	strace s3  }
0x9d: {  	_ =	strace $0x8FFFFFFF  }
0x9e: {  	s18 =	sld [smem:$0x3FDB];
	_ =	sdelay $0x1  }
0x9f: {  	s19 =	simm.s32 $_scs_section_size  }
0xa0: {  	s5 =	simm.s32 $_size__tile_overlayer_lowered;
	s6 =	simm.s32 $_tile_overlayer_lowered  }
0xa1: {  	s22 =	simm.s32 $0x1BFF;
	s21 =	sshll.u32 s6, $0x1;
	s3 =	sadd.s32 s19, s18  }
0xa2: {  	s7 =	simm.s32 $0x0;
	s20 =	sshll.u32 s5, $0x1;
	s5 =	sadd.s32 s21, s3  }
0xa3: {  	[timem:s7], [sflag:s22] =	dma.local [hbm:s5], s20  }
0xa4: {  	_ =	swait.ge [sflag:s22], s20  }
0xa5: {  	s4 =	ssub.s32 $0x0, s20;
	[sflag:s22] =	ssyncset.done $0x0  }
0xa6: {  	[sflag:s22] =	ssyncadd.s32 s4;
	_ =	sdelay $0x1  }
0xa7: {  	s23 =	simm.s32 $0x1B8B  }
0xa8: {  	_ =	swait.ge [sflag:s23], $0x1  }
0xa9: {  	[sflag:s23] =	ssyncset.done $0x0  }
0xaa: {  	s25 =	simm.s32 $0x1B8E;
	s24 =	sld [smem:$0x3FFE];
	[sflag:s23] =	ssyncadd.s32 $0xFFFFFFFF  }
0xab: {  	s26 =	simm.s32 $execute0_lowered;
	[smem:$0x3FD2] =	sst s25  }
0xac: {  	s5 =	sshll.u32 s26, $0x1;
	_ =	strace $0x80000046;
	[dreg:$0x1] =	wrdreg $0xFFFFFFFF  }
0xad: {  	s28 =	simm.s32 $_size_execute0_lowered;
	s3 =	sadd.s32 s3, s5;
	[dreg:$0x0] =	wrdreg $0x0  }
0xae: {  	s5 =	sshll.u32 s28, $0x1;
	[dreg:$0x2] =	wrdreg s3  }
0xaf: {  	[dreg:$0x3] =	wrdreg s5  }
0xb0: {  	[dreg:$0x4] =	wrdreg $0xC0  }
0xb1: {  	_ =	task [dreg:s7], $0x5FFFF  }
0xb2: {  	[dreg:$0x1] =	wrdreg $0xFFFFFFFF  }
0xb3: {  	[dreg:$0x0] =	wrdreg $0x60  }
0xb4: {  	[dreg:$0x2] =	wrdreg s24  }
0xb5: {  	[dreg:$0x3] =	wrdreg s16  }
0xb6: {  	[dreg:$0x4] =	wrdreg $0x9  }
0xb7: {  	_ =	task.clear_ibuf [dreg:s7], $0x5FFFF;
	_ =	strace $0x90000046  }
0xb8: {  	s29 =	simm.s32 $0x9;
	_ =	strace $0x80000048  }
0xb9: {  	_ =	swait.ge [sflag:s29], $0x1  }
0xba: {  	[sflag:s29] =	ssyncadd.s32 $0xFFFFFFFF  }
0xbb: {  	_ =	strace $0x90000048  }
0xbc: {  	_ =	sfence  }
0xbd: {  	s30 =	sld [smem:$0x0];
	_ =	sdelay $0x2  }
0xbe: {  	s31 =	sshll.u32 s1, $0xD;
	s1 =	sshrl.u32 s1, $0x2  }
0xbf: {  	s3 =	sand.u32 $0x4000, s31;
	s1 =	sadd.s32 s1, s30  }
0xc0: {  	s0 =	sor.u32 s3, s0;
	s1 =	sshll.u32 s1, $0x11  }
0xc1: {  	s0 =	sor.u32 s1, s0  }
0xc2: {  	s0 =	sadd.s32 $0x8F2B, s0  }
0xc3: {  	[sflag:s0] =	ssyncadd.remote.s32 $0x1  }
0xc4: {  	_ =	sfence.sel $0xFFFF  }
0xc5: {  	[dreg:$0x0] =	wrdreg $0xFFFFFFFF;
	(pc) =	sbr.abs _section_cstart, $3  }
0xc6: {  	[dreg:$0x1] =	wrdreg $0xFFFFFFFF  }
0xc7: {  	_ =	task.clear_ibuf [dreg:s7], $0x2FFFF;
	_ =	strace $0x9FFFFFFF  }
0xc8: {  	(tm) =	ssettm $0x7FFFFFFF  }
0xc9: {  	_ =	shalt  }
tec
execute0_lowered:
.L_overlay_start_1:
0x0: {  	(tag) =	ssettag $0x1  }
0x1: {  	s1 =	srdreg.scid;
	s4 =	rddreg [dreg:$0x0]  }
0x2: {  	s0 =	stileid.u32;
	s6 =	rddreg [dreg:$0x1];
	s2 =	simm.s32 $0x0  }
0x3: {  	s10 =	simm.s32 $0x4;
	s11 =	simm.s32 $0x1;
	s12 =	simm.s32 $0x0  }
0x4: {  	s3 =	sand.u32 $0x1, s1;
	s28 =	sshll.u32 s0, $0x1;
	s7 =	smul.u32 $0x168000, s0  }
0x5: {  	[smem:$0x7FF] =	sst s2;
	s1 =	sor.u32 s3, s28;
	s8 =	smul.u32 $0xB4000, s3  }
0x6: {  	s9 =	sadd.s32 $0x400, s4;
	s3 =	ssub.s32 $0x2, s3;
	s5 =	smul.u32 $0xB4000, s1  }
0x7: {  	s1 =	rddreg [dreg:$0x2];
	_ =	strace $0x80000047;
	s29 =	sshrl.u32 s3, $0x1  }
.Ltmp0:
0x8: {  	s7 =	sadd.s32 s8, s7;
	s4 =	ssub.s32 s3, s29;
	(pc) =	sbr.rel .LBB2_1-.Ltmp0, $4  }
0x9: {  	s8 =	simm.s32 $0xC000;
	s5 =	sshrl.u32 s5, $0x3;
	s31 =	sadd.s32 $0x558C000, s7  }
0xa: {  	s7 =	sshrl.u32 s7, $0x3;
	s4 =	smax.u32 s4, $0x1;
	s30 =	sadd.s32 s9, s5  }
0xb: {  	s5 =	sshrl.u32 s31, $0x3;
	s6 =	sadd.s32 s7, s6;
	s7 =	simm.s32 $0x2  }
0xc: {  	s3 =	sadd.s32 $0xAB0000, s30;
	s5 =	sadd.s32 s5, s9;
	s9 =	simm.s32 $0x3  }
.LBB2_9:
0xd: {  	s12 =	sadd.s32 $0x1, s12  }
0xe: {  	_ =	swait.ge [sflag:s9], $0xC000;
	p0 =	sne.s32 s12, s4  }
.Ltmp1:
0xf: {  	[sflag:s9] =	ssyncset.done $0x0;
	(pc) =	sbr.rel @!p0 .LBB2_10-.Ltmp1, $4  }
0x10: {  	[sflag:s9] =	ssyncadd.s32 $0xFFFF4000  }
0x11: {  	_ =	swait.ge [sflag:s10], $0xC000  }
0x12: {  	[sflag:s10] =	ssyncset.done $0x0  }
0x13: {  	[sflag:s10] =	ssyncadd.s32 $0xFFFF4000  }
.LBB2_1:
.Ltmp2:
0x14: {  	(pc) =	sbr.rel .LBB2_2-.Ltmp2, $3  }
0x15: {  	_ =	sdelay $0x1  }
0x16: {  	[tilespmem:s2], [sflag:$0x1] =	stream.linear.gather [hbm4b:s3+s2], $0xC000, $0x38;
	[tilespmem:$0x18000] =	vst v63  }
0x17: {  	s13 =	smov.u32 s6;
	s14 =	smov.u32 s5;
	s15 =	simm.s32 $0x0  }
.LBB2_7:
0x18: {  	_ =	swait.ge [sflag:s7], $0xC000  }
0x19: {  	[sflag:s7] =	ssyncset.done $0x0  }
0x1a: {  	[sflag:s7] =	ssyncadd.s32 $0xFFFF4000  }
0x1b: {  	[hbm4b:s13+s2] =	stream.linear.scatter [tilespmem:s8], [sflag:$0x4], $0xC000, $0x38;
	[tilespmem:$0x18000] =	vst v63  }
0x1c: {  	_ =	swait.ge [sflag:s9], $0xC000  }
0x1d: {  	[sflag:s9] =	ssyncset.done $0x0  }
0x1e: {  	[sflag:s9] =	ssyncadd.s32 $0xFFFF4000  }
0x1f: {  	[tilespmem:s2], [sflag:$0x1] =	stream.linear.gather [hbm4b:s14+s2], $0xC000, $0x38;
	[tilespmem:$0x18000] =	vst v63  }
.LBB2_8:
0x20: {  	s15 =	sadd.s32 $0x1, s15  }
0x21: {  	p0 =	sne.s32 s15, $0xF  }
.Ltmp3:
0x22: {  	_ = 	snop;
	(pc) =	sbr.rel @!p0 .LBB2_9-.Ltmp3, $2  }
0x23: {  	_ =	sdelay $0x2  }
0x24: {  	s14 =	sadd.s32 $0x1800, s14;
	s13 =	sadd.s32 $0x1800, s13  }
.LBB2_2:
0x25: {  	s16 =	sand.u32 $0x1, s15  }
0x26: {  	p0 =	seq.s32 s16, $0x1  }
.Ltmp4:
0x27: {  	_ = 	snop;
	(pc) =	sbr.rel @p0 .LBB2_7-.Ltmp4, $1  }
0x28: {  	_ =	sdelay $0x3  }
0x29: {  	p0 =	seq.s32 s15, $0x0  }
.Ltmp5:
0x2a: {  	_ = 	snop;
	(pc) =	sbr.rel @p0 .LBB2_6-.Ltmp5, $4  }
0x2b: {  	_ =	swait.ge [sflag:s11], $0xC000  }
0x2c: {  	[sflag:s11] =	ssyncset.done $0x0  }
0x2d: {  	[sflag:s11] =	ssyncadd.s32 $0xFFFF4000  }
0x2e: {  	[hbm4b:s13+s2] =	stream.linear.scatter [tilespmem:s2], [sflag:$0x3], $0xC000, $0x38;
	[tilespmem:$0x18000] =	vst v63  }
0x2f: {  	p0 =	seq.s32 s15, $0xE  }
.Ltmp6:
0x30: {  	_ = 	snop;
	(pc) =	sbr.rel @p0 .LBB2_9-.Ltmp6, $1  }
0x31: {  	_ =	sdelay $0x3  }
0x32: {  	_ =	swait.ge [sflag:s10], $0xC000  }
0x33: {  	[sflag:s10] =	ssyncset.done $0x0  }
0x34: {  	[sflag:s10] =	ssyncadd.s32 $0xFFFF4000  }
.LBB2_6:
.Ltmp7:
0x35: {  	(pc) =	sbr.rel .LBB2_8-.Ltmp7, $2  }
0x36: {  	_ =	sdelay $0x2  }
0x37: {  	[tilespmem:s8], [sflag:$0x2] =	stream.linear.gather [hbm4b:s14+s2], $0xC000, $0x38;
	[tilespmem:$0x18000] =	vst v63  }
.LBB2_10:
0x38: {  	_ =	sfence.sel $0x180000  }
0x39: {  	[bflag:$0x0] =	sbarrier.arrive $0xFFFF  }
0x3a: {  	p0 =	sne.s32 s0, $0x0;
	_ =	strace $0x90000047  }
0x3b: {  	s0 =	sadd.s32 @!p0 $0x100000, s1;
	[bflag:$0x2] =	sbarrier.arrive $0xFFFF  }
0x3c: {  	[sflag:s0] =	ssyncadd.tile.s32 @!p0 $0x1;
	_ =	shalt  }
.Lfunc_end2:
_tile_overlayer_lowered:
.L_overlay_start_2:
0x3d: {  	(tag) =	ssettag $0x2  }
0x3e: {  	s0 =	rddreg [dreg:$0x0];
	s2 =	stileid.u32  }
0x3f: {  	s1 =	rddreg [dreg:$0x1];
	p0 =	sne.s32 s2, $0x0  }
0x40: {  	s3 =	rddreg [dreg:$0x2];
	[bflag:$0x3] =	sbarrier.arrive $0xFFFF;
	s2 =	simm.s32 @!p0 $0x1C05  }
0x41: {  	[timem:s3], [sflag:s2] =	dma.local @!p0 [hbm:s0], s1  }
0x42: {  	s0 =	simm.s32 @!p0 $0x5  }
0x43: {  	_ =	swait.ge @!p0 [sflag:s0], s1  }
0x44: {  	s1 =	ssub.s32 @!p0 $0x0, s1;
	[sflag:s0] =	ssyncset.done @!p0 $0x0  }
0x45: {  	[sflag:s0] =	ssyncadd.s32 @!p0 s1  }
0x46: {  	[bflag:$0x3] =	sbarrier.arrive $0xFFFF  }
0x47: {  	_ =	shalt  }

</sc_bundles>
